<compile_context>
chip_gen: v7x
topology: tpu7x:2x2x1
jax: 0.10.2.dev20260603
libtpu: 0.0.44.dev20260713+nightly
codegen_flags: <defaults>
</compile_context>

<pallas_src>
import functools
import math

import numpy as np
import jax
import jax.numpy as jnp
from jax import lax
from jax.experimental import pallas as pl
from jax.experimental.pallas import tpu as pltpu
from jax.experimental.pallas import tpu_sc as plsc


def _positional_encoding(length, depth):
    depth = depth / 2
    positions = np.arange(length)[:, np.newaxis]
    depths = np.arange(depth)[np.newaxis, :] / depth
    angle_rates = 1 / 10000 ** depths
    angle_rads = positions * angle_rates
    return np.concatenate([np.sin(angle_rads), np.cos(angle_rads)], axis=-1).astype(np.float32)


def _sc_geometry():
    try:
        info = plsc.get_sparse_core_info()
        return info.num_cores, info.num_subcores
    except Exception:
        return 2, 16


@functools.lru_cache(maxsize=None)
def _build(B, S, V, D):
    NC, NS = _sc_geometry()
    NW = NC * NS
    ROWS = B * S
    assert ROWS % NW == 0
    per_w = ROWS // NW
    CH = 2 * S
    assert per_w % CH == 0
    NCH = per_w // CH
    assert D % 16 == 0
    DV = D // 16
    scale = float(math.sqrt(float(D)))

    slices = []
    off = 0
    while off < CH:
        ln = min(128, CH - off)
        slices.append((off, ln))
        off += ln

    mesh = plsc.VectorSubcoreMesh(core_axis_name="c", subcore_axis_name="s")

    @functools.partial(
        pl.kernel,
        mesh=mesh,
        compiler_params=pltpu.CompilerParams(use_tc_tiling_on_sc=False),
        out_type=jax.ShapeDtypeStruct((ROWS, D), jnp.float32),
        scratch_types=[
            pltpu.VMEM((S, D), jnp.float32),
            pltpu.VMEM((CH, D), jnp.float32),
            pltpu.VMEM((CH,), jnp.int32),
            pltpu.SemaphoreType.DMA,
        ],
    )
    def _k(table_hbm, xf_hbm, pos_hbm, out_hbm, pos_v, rows_v, idx_v, sem):
        wid = lax.axis_index("s") * NC + lax.axis_index("c")
        base = wid * per_w
        pltpu.sync_copy(pos_hbm, pos_v)

        def chunk_body(c, carry):
            row0 = base + c * CH
            pltpu.sync_copy(xf_hbm.at[pl.ds(row0, CH)], idx_v)
            copies = [
                pltpu.async_copy(
                    table_hbm.at[idx_v.at[pl.ds(o, ln)]],
                    rows_v.at[pl.ds(o, ln)],
                    sem,
                )
                for (o, ln) in slices
            ]
            for cp in copies:
                cp.wait()

            def srow(s, carry2):
                for cc in range(DV):
                    p = pos_v[s, pl.ds(cc * 16, 16)]
                    for q in range(CH // S):
                        r = q * S + s
                        rows_v[r, pl.ds(cc * 16, 16)] = (
                            rows_v[r, pl.ds(cc * 16, 16)] * scale + p
                        )
                return carry2

            lax.fori_loop(0, S, srow, 0)
            pltpu.sync_copy(rows_v, out_hbm.at[pl.ds(row0, CH)])
            return carry

        lax.fori_loop(0, NCH, chunk_body, 0)

    return _k


def kernel(x, embedding_table):
    B, S = x.shape
    V, D = embedding_table.shape
    pos = jnp.asarray(_positional_encoding(S, D))
    x_flat = x.reshape(-1).astype(jnp.int32)
    out = _build(B, S, V, D)(embedding_table, x_flat, pos)
    return out.reshape(B, S, D)

# --- scband reference (transcript-rebuilt; emitter-appended) ---
"""Pipeline reference for scband-positional-embedding-36077725287179 (READ-ONLY COPY).

The authoritative reference and input builder live on the scoring server;
editing this copy changes nothing except your own understanding.
"""

import jax, jax.numpy as jnp
import numpy as np

VOCAB_SIZE = 1000000
D_MODEL = 64
PE_LENGTH = 2048

def positional_encoding(length, depth):
    depth = depth / 2
    positions = np.arange(length)[:, np.newaxis]
    depths = np.arange(depth)[np.newaxis, :] / depth
    angle_rates = 1 / 10000 ** depths
    angle_rads = positions * angle_rates
    pos_encoding = np.concatenate([np.sin(angle_rads), np.cos(angle_rads)], axis=-1)
    return jnp.asarray(pos_encoding, dtype=jnp.float32)

def setup_inputs(seed: int = 0) -> dict:
    key = jax.random.key(seed)
    k_idx, k_emb = jax.random.split(key)
    x = jax.random.randint(k_idx, (1024, 200), 0, VOCAB_SIZE, dtype=jnp.int64 if jax.config.jax_enable_x64 else jnp.int32)
    embedding_table = jax.random.normal(k_emb, (VOCAB_SIZE, D_MODEL), dtype=jnp.float32)
    return {"x": x, "embedding_table": embedding_table}

def reference(x, embedding_table):
    length = x.shape[1]
    pos_encoding = positional_encoding(PE_LENGTH, D_MODEL)
    # embedding lookup (gather)
    out = jnp.take(embedding_table, x, axis=0)
    # scale by sqrt(d_model)
    out = out * jnp.sqrt(jnp.asarray(float(D_MODEL), dtype=jnp.float32))
    # add positional encoding
    out = out + pos_encoding[jnp.newaxis, :length, :]
    return out

if __name__ == "__main__":
    import jax
    _d = setup_inputs()
    print(jax.jit(kernel)(*tuple(_d.values())))

</pallas_src>

<mosaic_0001>
#map = affine_map<(d0, d1) -> (0, 0)>
#map1 = affine_map<(d0, d1) -> (0)>
module attributes {stable_mosaic.version = 14 : i64} {
  func.func @_k(%arg0: i32, %arg1: i32, %arg2: memref<1000000x64xf32, #tpu.memory_space<hbm>>, %arg3: memref<204800xi32, #tpu.memory_space<hbm>>, %arg4: memref<200x64xf32, #tpu.memory_space<hbm>>, %arg5: memref<204800x64xf32, #tpu.memory_space<hbm>>, %arg6: memref<200x64xf32, #tpu.memory_space<vmem>>, %arg7: memref<400x64xf32, #tpu.memory_space<vmem>>, %arg8: memref<400xi32, #tpu.memory_space<vmem>>, %arg9: memref<!tpu.dma_semaphore, #tpu.memory_space<semaphore_mem>>) attributes {dimension_semantics = [#tpu.dimension_semantics<core_parallel>, #tpu.dimension_semantics<subcore_parallel>], iteration_bounds = array<i64: 2, 16>, scalar_prefetch = 0 : i64, scratch_operands = 4 : i64, tpu.core_type = #tpu.core_type<sc_vector_subcore>, window_params = [{transform_indices = #map}, {transform_indices = #map1}, {transform_indices = #map}, {transform_indices = #map}]} {
    %mul3A = arith.constant 2 : i32
    %mul3A_0 = arith.muli %arg1, %mul3A : i32
    %add3A = arith.addi %mul3A_0, %arg0 : i32
    %mul3A_1 = arith.constant 6400 : i32
    %mul3A_2 = arith.muli %add3A, %mul3A_1 : i32
    "tpu.region"() ({
      %run_scoped3A = tpu.sem_alloc : memref<!tpu.dma_semaphore, #tpu.memory_space<semaphore_mem>>
      tpu.enqueue_dma source(%arg4 : memref<200x64xf32, #tpu.memory_space<hbm>>) target(%arg6 : memref<200x64xf32, #tpu.memory_space<vmem>>) target_semaphore(%run_scoped3A : memref<!tpu.dma_semaphore, #tpu.memory_space<semaphore_mem>>)
      tpu.wait_dma2 semaphore(%run_scoped3A : memref<!tpu.dma_semaphore, #tpu.memory_space<semaphore_mem>>) src(%arg4 : memref<200x64xf32, #tpu.memory_space<hbm>>) dst(%arg6 : memref<200x64xf32, #tpu.memory_space<vmem>>)
      tpu.yield
    }) : () -> ()
    %scan3A = arith.constant 0 : i32
    %scan3A_3 = arith.constant 0 : i32
    %scan3A_4 = arith.constant 16 : i32
    %scan3A_5 = arith.addi %scan3A_3, %scan3A_4 : i32
    %scan3A_6 = arith.constant 1 : i32
    scf.for %scan3A_8 = %scan3A_3 to %scan3A_5 step %scan3A_6  : i32 {
      %mul3A_9 = arith.constant 400 : i32
      %mul3A_10 = arith.muli %scan3A_8, %mul3A_9 : i32
      %add3A_11 = arith.addi %mul3A_2, %mul3A_10 : i32
      "tpu.region"() ({
        %run_scoped3A = tpu.sem_alloc : memref<!tpu.dma_semaphore, #tpu.memory_space<semaphore_mem>>
        %dma_start3A_80 = tpu.memref_slice %arg3[%add3A_11] : memref<204800xi32, #tpu.memory_space<hbm>> -> memref<400xi32, #tpu.memory_space<hbm>>
        %dma_start3A_81 = tpu.memref_slice %arg3[%add3A_11] : memref<204800xi32, #tpu.memory_space<hbm>> -> memref<400xi32, #tpu.memory_space<hbm>>
        tpu.enqueue_dma source(%dma_start3A_81 : memref<400xi32, #tpu.memory_space<hbm>>) target(%arg8 : memref<400xi32, #tpu.memory_space<vmem>>) target_semaphore(%run_scoped3A : memref<!tpu.dma_semaphore, #tpu.memory_space<semaphore_mem>>)
        %dma_wait3A_82 = tpu.memref_slice %arg3[%add3A_11] : memref<204800xi32, #tpu.memory_space<hbm>> -> memref<400xi32, #tpu.memory_space<hbm>>
        %dma_wait3A_83 = tpu.memref_slice %arg3[%add3A_11] : memref<204800xi32, #tpu.memory_space<hbm>> -> memref<400xi32, #tpu.memory_space<hbm>>
        tpu.wait_dma2 semaphore(%run_scoped3A : memref<!tpu.dma_semaphore, #tpu.memory_space<semaphore_mem>>) src(%dma_wait3A_83 : memref<400xi32, #tpu.memory_space<hbm>>) dst(%arg8 : memref<400xi32, #tpu.memory_space<vmem>>)
        tpu.yield
      }) : () -> ()
      %dma_start3A = arith.constant 0 : i32
      %dma_start3A_12 = arith.constant 0 : i32
      %dma_start3A_13 = tpu.memref_slice %arg7[%dma_start3A, %dma_start3A_12] : memref<400x64xf32, #tpu.memory_space<vmem>> -> memref<128x64xf32, #tpu.memory_space<vmem>>
      %dma_start3A_14 = arith.constant 0 : i32
      %dma_start3A_15 = tpu.memref_slice %arg8[%dma_start3A_14] : memref<400xi32, #tpu.memory_space<vmem>> -> memref<128xi32, #tpu.memory_space<vmem>>
      %dma_start3A_16 = arith.constant 0 : i32
      %dma_start3A_17 = arith.constant 0 : i32
      %dma_start3A_18 = tpu.memref_slice %arg2[%dma_start3A_16, %dma_start3A_17] : memref<1000000x64xf32, #tpu.memory_space<hbm>> -> memref<1000000x64xf32, #tpu.memory_space<hbm>>
      tpu.enqueue_indirect_dma source(%dma_start3A_18 : memref<1000000x64xf32, #tpu.memory_space<hbm>>) target(%dma_start3A_13 : memref<128x64xf32, #tpu.memory_space<vmem>>) offsets(%dma_start3A_15 : memref<128xi32, #tpu.memory_space<vmem>>) semaphore(%arg9 : memref<!tpu.dma_semaphore, #tpu.memory_space<semaphore_mem>>)
      %dma_start3A_19 = arith.constant 128 : i32
      %dma_start3A_20 = arith.constant 0 : i32
      %dma_start3A_21 = tpu.memref_slice %arg7[%dma_start3A_19, %dma_start3A_20] : memref<400x64xf32, #tpu.memory_space<vmem>> -> memref<128x64xf32, #tpu.memory_space<vmem>>
      %dma_start3A_22 = arith.constant 128 : i32
      %dma_start3A_23 = tpu.memref_slice %arg8[%dma_start3A_22] : memref<400xi32, #tpu.memory_space<vmem>> -> memref<128xi32, #tpu.memory_space<vmem>>
      %dma_start3A_24 = arith.constant 0 : i32
      %dma_start3A_25 = arith.constant 0 : i32
      %dma_start3A_26 = tpu.memref_slice %arg2[%dma_start3A_24, %dma_start3A_25] : memref<1000000x64xf32, #tpu.memory_space<hbm>> -> memref<1000000x64xf32, #tpu.memory_space<hbm>>
      tpu.enqueue_indirect_dma source(%dma_start3A_26 : memref<1000000x64xf32, #tpu.memory_space<hbm>>) target(%dma_start3A_21 : memref<128x64xf32, #tpu.memory_space<vmem>>) offsets(%dma_start3A_23 : memref<128xi32, #tpu.memory_space<vmem>>) semaphore(%arg9 : memref<!tpu.dma_semaphore, #tpu.memory_space<semaphore_mem>>)
      %dma_start3A_27 = arith.constant 256 : i32
      %dma_start3A_28 = arith.constant 0 : i32
      %dma_start3A_29 = tpu.memref_slice %arg7[%dma_start3A_27, %dma_start3A_28] : memref<400x64xf32, #tpu.memory_space<vmem>> -> memref<128x64xf32, #tpu.memory_space<vmem>>
      %dma_start3A_30 = arith.constant 256 : i32
      %dma_start3A_31 = tpu.memref_slice %arg8[%dma_start3A_30] : memref<400xi32, #tpu.memory_space<vmem>> -> memref<128xi32, #tpu.memory_space<vmem>>
      %dma_start3A_32 = arith.constant 0 : i32
      %dma_start3A_33 = arith.constant 0 : i32
      %dma_start3A_34 = tpu.memref_slice %arg2[%dma_start3A_32, %dma_start3A_33] : memref<1000000x64xf32, #tpu.memory_space<hbm>> -> memref<1000000x64xf32, #tpu.memory_space<hbm>>
      tpu.enqueue_indirect_dma source(%dma_start3A_34 : memref<1000000x64xf32, #tpu.memory_space<hbm>>) target(%dma_start3A_29 : memref<128x64xf32, #tpu.memory_space<vmem>>) offsets(%dma_start3A_31 : memref<128xi32, #tpu.memory_space<vmem>>) semaphore(%arg9 : memref<!tpu.dma_semaphore, #tpu.memory_space<semaphore_mem>>)
      %dma_start3A_35 = arith.constant 384 : i32
      %dma_start3A_36 = arith.constant 0 : i32
      %dma_start3A_37 = tpu.memref_slice %arg7[%dma_start3A_35, %dma_start3A_36] : memref<400x64xf32, #tpu.memory_space<vmem>> -> memref<16x64xf32, #tpu.memory_space<vmem>>
      %dma_start3A_38 = arith.constant 384 : i32
      %dma_start3A_39 = tpu.memref_slice %arg8[%dma_start3A_38] : memref<400xi32, #tpu.memory_space<vmem>> -> memref<16xi32, #tpu.memory_space<vmem>>
      %dma_start3A_40 = arith.constant 0 : i32
      %dma_start3A_41 = arith.constant 0 : i32
      %dma_start3A_42 = tpu.memref_slice %arg2[%dma_start3A_40, %dma_start3A_41] : memref<1000000x64xf32, #tpu.memory_space<hbm>> -> memref<1000000x64xf32, #tpu.memory_space<hbm>>
      tpu.enqueue_indirect_dma source(%dma_start3A_42 : memref<1000000x64xf32, #tpu.memory_space<hbm>>) target(%dma_start3A_37 : memref<16x64xf32, #tpu.memory_space<vmem>>) offsets(%dma_start3A_39 : memref<16xi32, #tpu.memory_space<vmem>>) semaphore(%arg9 : memref<!tpu.dma_semaphore, #tpu.memory_space<semaphore_mem>>)
      %dma_wait3A = arith.constant 0 : i32
      %dma_wait3A_43 = arith.constant 0 : i32
      %dma_wait3A_44 = tpu.memref_slice %arg7[%dma_wait3A, %dma_wait3A_43] : memref<400x64xf32, #tpu.memory_space<vmem>> -> memref<128x64xf32, #tpu.memory_space<vmem>>
      %dma_wait3A_45 = arith.constant 0 : i32
      %dma_wait3A_46 = tpu.memref_slice %arg8[%dma_wait3A_45] : memref<400xi32, #tpu.memory_space<vmem>> -> memref<128xi32, #tpu.memory_space<vmem>>
      %dma_wait3A_47 = arith.constant 0 : i32
      %dma_wait3A_48 = arith.constant 0 : i32
      %dma_wait3A_49 = tpu.memref_slice %arg2[%dma_wait3A_47, %dma_wait3A_48] : memref<1000000x64xf32, #tpu.memory_space<hbm>> -> memref<1000000x64xf32, #tpu.memory_space<hbm>>
      tpu.wait_indirect_dma semaphore(%arg9 : memref<!tpu.dma_semaphore, #tpu.memory_space<semaphore_mem>>) src(%dma_wait3A_49 : memref<1000000x64xf32, #tpu.memory_space<hbm>>) dst(%dma_wait3A_44 : memref<128x64xf32, #tpu.memory_space<vmem>>)
      %dma_wait3A_50 = arith.constant 128 : i32
      %dma_wait3A_51 = arith.constant 0 : i32
      %dma_wait3A_52 = tpu.memref_slice %arg7[%dma_wait3A_50, %dma_wait3A_51] : memref<400x64xf32, #tpu.memory_space<vmem>> -> memref<128x64xf32, #tpu.memory_space<vmem>>
      %dma_wait3A_53 = arith.constant 128 : i32
      %dma_wait3A_54 = tpu.memref_slice %arg8[%dma_wait3A_53] : memref<400xi32, #tpu.memory_space<vmem>> -> memref<128xi32, #tpu.memory_space<vmem>>
      %dma_wait3A_55 = arith.constant 0 : i32
      %dma_wait3A_56 = arith.constant 0 : i32
      %dma_wait3A_57 = tpu.memref_slice %arg2[%dma_wait3A_55, %dma_wait3A_56] : memref<1000000x64xf32, #tpu.memory_space<hbm>> -> memref<1000000x64xf32, #tpu.memory_space<hbm>>
      tpu.wait_indirect_dma semaphore(%arg9 : memref<!tpu.dma_semaphore, #tpu.memory_space<semaphore_mem>>) src(%dma_wait3A_57 : memref<1000000x64xf32, #tpu.memory_space<hbm>>) dst(%dma_wait3A_52 : memref<128x64xf32, #tpu.memory_space<vmem>>)
      %dma_wait3A_58 = arith.constant 256 : i32
      %dma_wait3A_59 = arith.constant 0 : i32
      %dma_wait3A_60 = tpu.memref_slice %arg7[%dma_wait3A_58, %dma_wait3A_59] : memref<400x64xf32, #tpu.memory_space<vmem>> -> memref<128x64xf32, #tpu.memory_space<vmem>>
      %dma_wait3A_61 = arith.constant 256 : i32
      %dma_wait3A_62 = tpu.memref_slice %arg8[%dma_wait3A_61] : memref<400xi32, #tpu.memory_space<vmem>> -> memref<128xi32, #tpu.memory_space<vmem>>
      %dma_wait3A_63 = arith.constant 0 : i32
      %dma_wait3A_64 = arith.constant 0 : i32
      %dma_wait3A_65 = tpu.memref_slice %arg2[%dma_wait3A_63, %dma_wait3A_64] : memref<1000000x64xf32, #tpu.memory_space<hbm>> -> memref<1000000x64xf32, #tpu.memory_space<hbm>>
      tpu.wait_indirect_dma semaphore(%arg9 : memref<!tpu.dma_semaphore, #tpu.memory_space<semaphore_mem>>) src(%dma_wait3A_65 : memref<1000000x64xf32, #tpu.memory_space<hbm>>) dst(%dma_wait3A_60 : memref<128x64xf32, #tpu.memory_space<vmem>>)
      %dma_wait3A_66 = arith.constant 384 : i32
      %dma_wait3A_67 = arith.constant 0 : i32
      %dma_wait3A_68 = tpu.memref_slice %arg7[%dma_wait3A_66, %dma_wait3A_67] : memref<400x64xf32, #tpu.memory_space<vmem>> -> memref<16x64xf32, #tpu.memory_space<vmem>>
      %dma_wait3A_69 = arith.constant 384 : i32
      %dma_wait3A_70 = tpu.memref_slice %arg8[%dma_wait3A_69] : memref<400xi32, #tpu.memory_space<vmem>> -> memref<16xi32, #tpu.memory_space<vmem>>
      %dma_wait3A_71 = arith.constant 0 : i32
      %dma_wait3A_72 = arith.constant 0 : i32
      %dma_wait3A_73 = tpu.memref_slice %arg2[%dma_wait3A_71, %dma_wait3A_72] : memref<1000000x64xf32, #tpu.memory_space<hbm>> -> memref<1000000x64xf32, #tpu.memory_space<hbm>>
      tpu.wait_indirect_dma semaphore(%arg9 : memref<!tpu.dma_semaphore, #tpu.memory_space<semaphore_mem>>) src(%dma_wait3A_73 : memref<1000000x64xf32, #tpu.memory_space<hbm>>) dst(%dma_wait3A_68 : memref<16x64xf32, #tpu.memory_space<vmem>>)
      %scan3A_74 = arith.constant 0 : i32
      %scan3A_75 = arith.constant 0 : i32
      %scan3A_76 = arith.constant 200 : i32
      %scan3A_77 = arith.addi %scan3A_75, %scan3A_76 : i32
      %scan3A_78 = arith.constant 1 : i32
      scf.for %scan3A_80 = %scan3A_75 to %scan3A_77 step %scan3A_78  : i32 {
        %get3A = arith.index_cast %scan3A_80 : i32 to index
        %get3A_81 = arith.constant 0 : index
        %get3A_82 = tpu.vector_load %arg6[%get3A, %get3A_81] {strides = array<i32>} : memref<200x64xf32, #tpu.memory_space<vmem>>, vector<1x16xf32>,
        %get3A_83 = vector.shape_cast %get3A_82 : vector<1x16xf32> to vector<16xf32>
        %add3A_84 = arith.constant 0 : i32
        %add3A_85 = arith.addi %add3A_84, %scan3A_80 : i32
        %get3A_86 = arith.index_cast %add3A_85 : i32 to index
        %get3A_87 = arith.constant 0 : index
        %get3A_88 = tpu.vector_load %arg7[%get3A_86, %get3A_87] {strides = array<i32>} : memref<400x64xf32, #tpu.memory_space<vmem>>, vector<1x16xf32>,
        %get3A_89 = vector.shape_cast %get3A_88 : vector<1x16xf32> to vector<16xf32>
        %mul3A_90 = arith.constant 8.000000e+00 : f32
        %mul3A_91 = vector.broadcast %mul3A_90 : f32 to vector<16xf32>
        %mul3A_92 = arith.mulf %get3A_89, %mul3A_91 : vector<16xf32>
        %add3A_93 = arith.addf %mul3A_92, %get3A_83 : vector<16xf32>
        %swap3A = arith.index_cast %add3A_85 : i32 to index
        %swap3A_94 = arith.constant 0 : index
        %swap3A_95 = tpu.vector_load %arg7[%swap3A, %swap3A_94] {strides = array<i32>} : memref<400x64xf32, #tpu.memory_space<vmem>>, vector<1x16xf32>,
        %swap3A_96 = vector.shape_cast %swap3A_95 : vector<1x16xf32> to vector<16xf32>
        %swap3A_97 = vector.shape_cast %add3A_93 : vector<16xf32> to vector<1x16xf32>
        tpu.vector_store %arg7[%swap3A, %swap3A_94], %swap3A_97 {strides = array<i32>} : memref<400x64xf32, #tpu.memory_space<vmem>>, vector<1x16xf32>,
        %add3A_98 = arith.constant 200 : i32
        %add3A_99 = arith.addi %add3A_98, %scan3A_80 : i32
        %get3A_100 = arith.index_cast %add3A_99 : i32 to index
        %get3A_101 = arith.constant 0 : index
        %get3A_102 = tpu.vector_load %arg7[%get3A_100, %get3A_101] {strides = array<i32>} : memref<400x64xf32, #tpu.memory_space<vmem>>, vector<1x16xf32>,
        %get3A_103 = vector.shape_cast %get3A_102 : vector<1x16xf32> to vector<16xf32>
        %mul3A_104 = arith.constant 8.000000e+00 : f32
        %mul3A_105 = vector.broadcast %mul3A_104 : f32 to vector<16xf32>
        %mul3A_106 = arith.mulf %get3A_103, %mul3A_105 : vector<16xf32>
        %add3A_107 = arith.addf %mul3A_106, %get3A_83 : vector<16xf32>
        %swap3A_108 = arith.index_cast %add3A_99 : i32 to index
        %swap3A_109 = arith.constant 0 : index
        %swap3A_110 = tpu.vector_load %arg7[%swap3A_108, %swap3A_109] {strides = array<i32>} : memref<400x64xf32, #tpu.memory_space<vmem>>, vector<1x16xf32>,
        %swap3A_111 = vector.shape_cast %swap3A_110 : vector<1x16xf32> to vector<16xf32>
        %swap3A_112 = vector.shape_cast %add3A_107 : vector<16xf32> to vector<1x16xf32>
        tpu.vector_store %arg7[%swap3A_108, %swap3A_109], %swap3A_112 {strides = array<i32>} : memref<400x64xf32, #tpu.memory_space<vmem>>, vector<1x16xf32>,
        %get3A_113 = arith.index_cast %scan3A_80 : i32 to index
        %get3A_114 = arith.constant 16 : index
        %get3A_115 = tpu.vector_load %arg6[%get3A_113, %get3A_114] {strides = array<i32>} : memref<200x64xf32, #tpu.memory_space<vmem>>, vector<1x16xf32>,
        %get3A_116 = vector.shape_cast %get3A_115 : vector<1x16xf32> to vector<16xf32>
        %add3A_117 = arith.constant 0 : i32
        %add3A_118 = arith.addi %add3A_117, %scan3A_80 : i32
        %get3A_119 = arith.index_cast %add3A_118 : i32 to index
        %get3A_120 = arith.constant 16 : index
        %get3A_121 = tpu.vector_load %arg7[%get3A_119, %get3A_120] {strides = array<i32>} : memref<400x64xf32, #tpu.memory_space<vmem>>, vector<1x16xf32>,
        %get3A_122 = vector.shape_cast %get3A_121 : vector<1x16xf32> to vector<16xf32>
        %mul3A_123 = arith.constant 8.000000e+00 : f32
        %mul3A_124 = vector.broadcast %mul3A_123 : f32 to vector<16xf32>
        %mul3A_125 = arith.mulf %get3A_122, %mul3A_124 : vector<16xf32>
        %add3A_126 = arith.addf %mul3A_125, %get3A_116 : vector<16xf32>
        %swap3A_127 = arith.index_cast %add3A_118 : i32 to index
        %swap3A_128 = arith.constant 16 : index
        %swap3A_129 = tpu.vector_load %arg7[%swap3A_127, %swap3A_128] {strides = array<i32>} : memref<400x64xf32, #tpu.memory_space<vmem>>, vector<1x16xf32>,
        %swap3A_130 = vector.shape_cast %swap3A_129 : vector<1x16xf32> to vector<16xf32>
        %swap3A_131 = vector.shape_cast %add3A_126 : vector<16xf32> to vector<1x16xf32>
        tpu.vector_store %arg7[%swap3A_127, %swap3A_128], %swap3A_131 {strides = array<i32>} : memref<400x64xf32, #tpu.memory_space<vmem>>, vector<1x16xf32>,
        %add3A_132 = arith.constant 200 : i32
        %add3A_133 = arith.addi %add3A_132, %scan3A_80 : i32
        %get3A_134 = arith.index_cast %add3A_133 : i32 to index
        %get3A_135 = arith.constant 16 : index
        %get3A_136 = tpu.vector_load %arg7[%get3A_134, %get3A_135] {strides = array<i32>} : memref<400x64xf32, #tpu.memory_space<vmem>>, vector<1x16xf32>,
        %get3A_137 = vector.shape_cast %get3A_136 : vector<1x16xf32> to vector<16xf32>
        %mul3A_138 = arith.constant 8.000000e+00 : f32
        %mul3A_139 = vector.broadcast %mul3A_138 : f32 to vector<16xf32>
        %mul3A_140 = arith.mulf %get3A_137, %mul3A_139 : vector<16xf32>
        %add3A_141 = arith.addf %mul3A_140, %get3A_116 : vector<16xf32>
        %swap3A_142 = arith.index_cast %add3A_133 : i32 to index
        %swap3A_143 = arith.constant 16 : index
        %swap3A_144 = tpu.vector_load %arg7[%swap3A_142, %swap3A_143] {strides = array<i32>} : memref<400x64xf32, #tpu.memory_space<vmem>>, vector<1x16xf32>,
        %swap3A_145 = vector.shape_cast %swap3A_144 : vector<1x16xf32> to vector<16xf32>
        %swap3A_146 = vector.shape_cast %add3A_141 : vector<16xf32> to vector<1x16xf32>
        tpu.vector_store %arg7[%swap3A_142, %swap3A_143], %swap3A_146 {strides = array<i32>} : memref<400x64xf32, #tpu.memory_space<vmem>>, vector<1x16xf32>,
        %get3A_147 = arith.index_cast %scan3A_80 : i32 to index
        %get3A_148 = arith.constant 32 : index
        %get3A_149 = tpu.vector_load %arg6[%get3A_147, %get3A_148] {strides = array<i32>} : memref<200x64xf32, #tpu.memory_space<vmem>>, vector<1x16xf32>,
        %get3A_150 = vector.shape_cast %get3A_149 : vector<1x16xf32> to vector<16xf32>
        %add3A_151 = arith.constant 0 : i32
        %add3A_152 = arith.addi %add3A_151, %scan3A_80 : i32
        %get3A_153 = arith.index_cast %add3A_152 : i32 to index
        %get3A_154 = arith.constant 32 : index
        %get3A_155 = tpu.vector_load %arg7[%get3A_153, %get3A_154] {strides = array<i32>} : memref<400x64xf32, #tpu.memory_space<vmem>>, vector<1x16xf32>,
        %get3A_156 = vector.shape_cast %get3A_155 : vector<1x16xf32> to vector<16xf32>
        %mul3A_157 = arith.constant 8.000000e+00 : f32
        %mul3A_158 = vector.broadcast %mul3A_157 : f32 to vector<16xf32>
        %mul3A_159 = arith.mulf %get3A_156, %mul3A_158 : vector<16xf32>
        %add3A_160 = arith.addf %mul3A_159, %get3A_150 : vector<16xf32>
        %swap3A_161 = arith.index_cast %add3A_152 : i32 to index
        %swap3A_162 = arith.constant 32 : index
        %swap3A_163 = tpu.vector_load %arg7[%swap3A_161, %swap3A_162] {strides = array<i32>} : memref<400x64xf32, #tpu.memory_space<vmem>>, vector<1x16xf32>,
        %swap3A_164 = vector.shape_cast %swap3A_163 : vector<1x16xf32> to vector<16xf32>
        %swap3A_165 = vector.shape_cast %add3A_160 : vector<16xf32> to vector<1x16xf32>
        tpu.vector_store %arg7[%swap3A_161, %swap3A_162], %swap3A_165 {strides = array<i32>} : memref<400x64xf32, #tpu.memory_space<vmem>>, vector<1x16xf32>,
        %add3A_166 = arith.constant 200 : i32
        %add3A_167 = arith.addi %add3A_166, %scan3A_80 : i32
        %get3A_168 = arith.index_cast %add3A_167 : i32 to index
        %get3A_169 = arith.constant 32 : index
        %get3A_170 = tpu.vector_load %arg7[%get3A_168, %get3A_169] {strides = array<i32>} : memref<400x64xf32, #tpu.memory_space<vmem>>, vector<1x16xf32>,
        %get3A_171 = vector.shape_cast %get3A_170 : vector<1x16xf32> to vector<16xf32>
        %mul3A_172 = arith.constant 8.000000e+00 : f32
        %mul3A_173 = vector.broadcast %mul3A_172 : f32 to vector<16xf32>
        %mul3A_174 = arith.mulf %get3A_171, %mul3A_173 : vector<16xf32>
        %add3A_175 = arith.addf %mul3A_174, %get3A_150 : vector<16xf32>
        %swap3A_176 = arith.index_cast %add3A_167 : i32 to index
        %swap3A_177 = arith.constant 32 : index
        %swap3A_178 = tpu.vector_load %arg7[%swap3A_176, %swap3A_177] {strides = array<i32>} : memref<400x64xf32, #tpu.memory_space<vmem>>, vector<1x16xf32>,
        %swap3A_179 = vector.shape_cast %swap3A_178 : vector<1x16xf32> to vector<16xf32>
        %swap3A_180 = vector.shape_cast %add3A_175 : vector<16xf32> to vector<1x16xf32>
        tpu.vector_store %arg7[%swap3A_176, %swap3A_177], %swap3A_180 {strides = array<i32>} : memref<400x64xf32, #tpu.memory_space<vmem>>, vector<1x16xf32>,
        %get3A_181 = arith.index_cast %scan3A_80 : i32 to index
        %get3A_182 = arith.constant 48 : index
        %get3A_183 = tpu.vector_load %arg6[%get3A_181, %get3A_182] {strides = array<i32>} : memref<200x64xf32, #tpu.memory_space<vmem>>, vector<1x16xf32>,
        %get3A_184 = vector.shape_cast %get3A_183 : vector<1x16xf32> to vector<16xf32>
        %add3A_185 = arith.constant 0 : i32
        %add3A_186 = arith.addi %add3A_185, %scan3A_80 : i32
        %get3A_187 = arith.index_cast %add3A_186 : i32 to index
        %get3A_188 = arith.constant 48 : index
        %get3A_189 = tpu.vector_load %arg7[%get3A_187, %get3A_188] {strides = array<i32>} : memref<400x64xf32, #tpu.memory_space<vmem>>, vector<1x16xf32>,
        %get3A_190 = vector.shape_cast %get3A_189 : vector<1x16xf32> to vector<16xf32>
        %mul3A_191 = arith.constant 8.000000e+00 : f32
        %mul3A_192 = vector.broadcast %mul3A_191 : f32 to vector<16xf32>
        %mul3A_193 = arith.mulf %get3A_190, %mul3A_192 : vector<16xf32>
        %add3A_194 = arith.addf %mul3A_193, %get3A_184 : vector<16xf32>
        %swap3A_195 = arith.index_cast %add3A_186 : i32 to index
        %swap3A_196 = arith.constant 48 : index
        %swap3A_197 = tpu.vector_load %arg7[%swap3A_195, %swap3A_196] {strides = array<i32>} : memref<400x64xf32, #tpu.memory_space<vmem>>, vector<1x16xf32>,
        %swap3A_198 = vector.shape_cast %swap3A_197 : vector<1x16xf32> to vector<16xf32>
        %swap3A_199 = vector.shape_cast %add3A_194 : vector<16xf32> to vector<1x16xf32>
        tpu.vector_store %arg7[%swap3A_195, %swap3A_196], %swap3A_199 {strides = array<i32>} : memref<400x64xf32, #tpu.memory_space<vmem>>, vector<1x16xf32>,
        %add3A_200 = arith.constant 200 : i32
        %add3A_201 = arith.addi %add3A_200, %scan3A_80 : i32
        %get3A_202 = arith.index_cast %add3A_201 : i32 to index
        %get3A_203 = arith.constant 48 : index
        %get3A_204 = tpu.vector_load %arg7[%get3A_202, %get3A_203] {strides = array<i32>} : memref<400x64xf32, #tpu.memory_space<vmem>>, vector<1x16xf32>,
        %get3A_205 = vector.shape_cast %get3A_204 : vector<1x16xf32> to vector<16xf32>
        %mul3A_206 = arith.constant 8.000000e+00 : f32
        %mul3A_207 = vector.broadcast %mul3A_206 : f32 to vector<16xf32>
        %mul3A_208 = arith.mulf %get3A_205, %mul3A_207 : vector<16xf32>
        %add3A_209 = arith.addf %mul3A_208, %get3A_184 : vector<16xf32>
        %swap3A_210 = arith.index_cast %add3A_201 : i32 to index
        %swap3A_211 = arith.constant 48 : index
        %swap3A_212 = tpu.vector_load %arg7[%swap3A_210, %swap3A_211] {strides = array<i32>} : memref<400x64xf32, #tpu.memory_space<vmem>>, vector<1x16xf32>,
        %swap3A_213 = vector.shape_cast %swap3A_212 : vector<1x16xf32> to vector<16xf32>
        %swap3A_214 = vector.shape_cast %add3A_209 : vector<16xf32> to vector<1x16xf32>
        tpu.vector_store %arg7[%swap3A_210, %swap3A_211], %swap3A_214 {strides = array<i32>} : memref<400x64xf32, #tpu.memory_space<vmem>>, vector<1x16xf32>,
      }
      %scan3A_79 = arith.constant 200 : i32
      "tpu.region"() ({
        %run_scoped3A = tpu.sem_alloc : memref<!tpu.dma_semaphore, #tpu.memory_space<semaphore_mem>>
        %dma_start3A_80 = arith.constant 0 : i32
        %dma_start3A_81 = tpu.memref_slice %arg5[%add3A_11, %dma_start3A_80] : memref<204800x64xf32, #tpu.memory_space<hbm>> -> memref<400x64xf32, #tpu.memory_space<hbm>>
        %dma_start3A_82 = arith.constant 0 : i32
        %dma_start3A_83 = tpu.memref_slice %arg5[%add3A_11, %dma_start3A_82] : memref<204800x64xf32, #tpu.memory_space<hbm>> -> memref<400x64xf32, #tpu.memory_space<hbm>>
        tpu.enqueue_dma source(%arg7 : memref<400x64xf32, #tpu.memory_space<vmem>>) target(%dma_start3A_83 : memref<400x64xf32, #tpu.memory_space<hbm>>) target_semaphore(%run_scoped3A : memref<!tpu.dma_semaphore, #tpu.memory_space<semaphore_mem>>)
        %dma_wait3A_84 = arith.constant 0 : i32
        %dma_wait3A_85 = tpu.memref_slice %arg5[%add3A_11, %dma_wait3A_84] : memref<204800x64xf32, #tpu.memory_space<hbm>> -> memref<400x64xf32, #tpu.memory_space<hbm>>
        %dma_wait3A_86 = arith.constant 0 : i32
        %dma_wait3A_87 = tpu.memref_slice %arg5[%add3A_11, %dma_wait3A_86] : memref<204800x64xf32, #tpu.memory_space<hbm>> -> memref<400x64xf32, #tpu.memory_space<hbm>>
        tpu.wait_dma2 semaphore(%run_scoped3A : memref<!tpu.dma_semaphore, #tpu.memory_space<semaphore_mem>>) src(%arg7 : memref<400x64xf32, #tpu.memory_space<vmem>>) dst(%dma_wait3A_87 : memref<400x64xf32, #tpu.memory_space<hbm>>)
        tpu.yield
      }) : () -> ()
    }
    %scan3A_7 = arith.constant 16 : i32
    return
  }
}

</mosaic_0001>

<sc_bundles>
// kernel: kernel.3.cloned.1.call-start
scs
__scs_entry_jumppad:
0x0: {  	(pc) =	sbr.rel $0x88, $3  }
0x1: {  	(tag) =	ssettag $0x0;
	lr =	simm.s32 $0x1  }
0x2: {  	[smem:$0x3F9F] =	sst lr;
	_ =	strace $0xD0000000  }
0x3: {  	_ = 	snop  }
0x4: {  	_ = 	snop  }
0x5: {  	_ = 	snop  }
0x6: {  	_ = 	snop  }
0x7: {  	_ = 	snop  }
__scs_overlays_trampoline_lowered:
0x8: {  	[smem:$0x3FAE] =	sst s0  }
0x9: {  	[smem:$0x3FAF] =	sst s1  }
0xa: {  	[smem:$0x3FB0] =	sst s2  }
0xb: {  	[smem:$0x3FB1] =	sst s3  }
0xc: {  	[smem:$0x3FB2] =	sst s4  }
0xd: {  	[smem:$0x3FB3] =	sst s5  }
0xe: {  	[smem:$0x3FB4] =	sst s6  }
0xf: {  	[smem:$0x3FB5] =	sst s7  }
0x10: {  	[smem:$0x3FB6] =	sst s8  }
0x11: {  	[smem:$0x3FB7] =	sst s9;
	s0 =	simm.s32 @!p0 $0x0  }
0x12: {  	s1 =	sld [smem:$0x3F9D];
	s0 =	simm.s32 @p0 $0x1  }
0x13: {  	[smem:$0x3FB8] =	sst s0;
	s0 =	simm.s32 @!p1 $0x0  }
0x14: {  	s2 =	sld [smem:$0x3F9C];
	s0 =	simm.s32 @p1 $0x1  }
0x15: {  	[smem:$0x3FB9] =	sst s0;
	s0 =	simm.s32 @!p2 $0x0  }
0x16: {  	s3 =	sld [smem:$0x3FDB];
	s0 =	simm.s32 @p2 $0x1  }
0x17: {  	s4 =	simm.s32 $0x1BF5;
	[smem:$0x3FBB] =	sst s0  }
0x18: {  	s0 =	sld [smem:$0x3F9E];
	_ =	swait.ge [sflag:s4], $0x0  }
0x19: {  	s7 =	sld [smem:$0x3F9F]  }
0x1a: {  	s8 =	sadd.s32 $0xFFFFE003, lr  }
0x1b: {  	s9 =	sadd.s32 $0xFFFFFEF7, lr;
	s5 =	simm.s32 $0xFFFFFFFF;
	p2 =	slt.u32 s8, $0xFFFFF086  }
0x1c: {  	p1 =	slt.u32 s9, $0xF7A;
	s5 =	simm.s32 @!p2 $0x0  }
0x1d: {  	s5 =	simm.s32 @p1 $0x1;
	p0 =	seq.s32 s7, s2  }
0x1e: {  	s7 =	smul.u32 @!p0 $0xF7A, s2;
	p2 =	seq.s32 @!p0 s5, $0x0  }
0x1f: {  	s9 =	smul.u32 $0xF7A, s1;
	s8 =	simm.s32 @!p0 $0x1BF5;
	p2 =	por !p2, p0  }
0x20: {  	[sflag:s8] =	ssyncset.s32 @!p0 $0xFFFFF086;
	s6 =	sadd.s32 @!p0 s3, s7;
	s7 =	simm.s32 @!p0 $0x108  }
0x21: {  	s3 =	sadd.s32 s3, s9;
	s6 =	sadd.s32 @!p0 $0x88, s6;
	s7 =	simm.s32 @p2 $0x1082  }
0x22: {  	[simem:s7], [sflag:s8] =	dma.local @!p0 [hbm:s6], $0xF7A  }
0x23: {  	s9 =	sor.u32 $0xD0000000, s2;
	s6 =	simm.s32 $0x108;
	_ =	swait.ge @!p0 [sflag:s8], $0x0  }
0x24: {  	s3 =	sadd.s32 $0x88, s3;
	s6 =	simm.s32 @!p1 $0x1082;
	[sflag:s4] =	ssyncset.s32 $0xFFFFF086  }
0x25: {  	[simem:s6], [sflag:s4] =	dma.local [hbm:s3], $0xF7A  }
0x26: {  	[smem:$0x3F9F] =	sst s1;
	(tag) =	ssettag s2;
	_ =	strace s9  }
0x27: {  	s1 =	sld [smem:$0x3FAF]  }
0x28: {  	s2 =	sld [smem:$0x3FB0]  }
0x29: {  	s4 =	sld [smem:$0x3FB2]  }
0x2a: {  	p0 =	seq.s32 s5, $0x0;
	s5 =	sld [smem:$0x3FB3]  }
0x2b: {  	s6 =	sld [smem:$0x3FB4]  }
0x2c: {  	s7 =	sld [smem:$0x3FB5]  }
0x2d: {  	s3 =	simm.s32 $0x108;
	s8 =	sld [smem:$0x3FB6]  }
0x2e: {  	s3 =	simm.s32 @!p0 $0x1082;
	s9 =	sld [smem:$0x3FB7]  }
0x2f: {  	lr =	sadd.s32 s0, s3;
	s0 =	sld [smem:$0x3FAE]  }
0x30: {  	s3 =	sld [smem:$0x3FB1]  }
0x31: {  	[smem:$0x3FBA] =	sst s10  }
0x32: {  	s10 =	sld [smem:$0x3FB8];
	_ =	sdelay $0x3  }
0x33: {  	p0 =	seq.s32 s10, $0x1;
	s10 =	sld [smem:$0x3FBA];
	_ =	sdelay $0x3  }
0x34: {  	[smem:$0x3FBA] =	sst s10  }
0x35: {  	s10 =	sld [smem:$0x3FB9];
	_ =	sdelay $0x3  }
0x36: {  	p1 =	seq.s32 s10, $0x1;
	s10 =	sld [smem:$0x3FBA];
	_ =	sdelay $0x3  }
0x37: {  	[smem:$0x3FBA] =	sst s10  }
0x38: {  	s10 =	sld [smem:$0x3FBB]  }
0x39: {  	_ = 	snop;
	(pc) =	sbr.ind lr, $3  }
0x3a: {  	_ = 	snop  }
0x3b: {  	_ = 	snop  }
0x3c: {  	p2 =	seq.s32 s10, $0x1;
	s10 =	sld [smem:$0x3FBA]  }
0x3d: {  	_ =	shalt  }
0x3e: {  	_ =	shalt  }
0x3f: {  	_ =	shalt  }
0x40: {  	_ =	shalt  }
0x41: {  	_ =	shalt  }
0x42: {  	_ =	shalt  }
0x43: {  	_ =	shalt  }
0x44: {  	_ =	shalt  }
0x45: {  	_ =	shalt  }
0x46: {  	_ =	shalt  }
0x47: {  	_ =	shalt  }
0x48: {  	_ =	shalt  }
0x49: {  	_ =	shalt  }
0x4a: {  	_ =	shalt  }
0x4b: {  	_ =	shalt  }
0x4c: {  	_ =	shalt  }
0x4d: {  	_ =	shalt  }
0x4e: {  	_ =	shalt  }
0x4f: {  	_ =	shalt  }
0x50: {  	_ =	shalt  }
0x51: {  	_ =	shalt  }
0x52: {  	_ =	shalt  }
0x53: {  	_ =	shalt  }
0x54: {  	_ =	shalt  }
0x55: {  	_ =	shalt  }
0x56: {  	_ =	shalt  }
0x57: {  	_ =	shalt  }
0x58: {  	_ =	shalt  }
0x59: {  	_ =	shalt  }
0x5a: {  	_ =	shalt  }
0x5b: {  	_ =	shalt  }
0x5c: {  	_ =	shalt  }
0x5d: {  	_ =	shalt  }
0x5e: {  	_ =	shalt  }
0x5f: {  	_ =	shalt  }
0x60: {  	_ =	shalt  }
0x61: {  	_ =	shalt  }
0x62: {  	_ =	shalt  }
0x63: {  	_ =	shalt  }
0x64: {  	_ =	shalt  }
0x65: {  	_ =	shalt  }
0x66: {  	_ =	shalt  }
0x67: {  	_ =	shalt  }
0x68: {  	_ =	shalt  }
0x69: {  	_ =	shalt  }
0x6a: {  	_ =	shalt  }
0x6b: {  	_ =	shalt  }
0x6c: {  	_ =	shalt  }
0x6d: {  	_ =	shalt  }
0x6e: {  	_ =	shalt  }
0x6f: {  	_ =	shalt  }
0x70: {  	_ =	shalt  }
0x71: {  	_ =	shalt  }
0x72: {  	_ =	shalt  }
0x73: {  	_ =	shalt  }
0x74: {  	_ =	shalt  }
0x75: {  	_ =	shalt  }
0x76: {  	_ =	shalt  }
0x77: {  	_ =	shalt  }
0x78: {  	_ =	shalt  }
0x79: {  	_ =	shalt  }
0x7a: {  	_ =	shalt  }
0x7b: {  	_ =	shalt  }
0x7c: {  	_ =	shalt  }
0x7d: {  	_ =	shalt  }
0x7e: {  	_ =	shalt  }
0x7f: {  	_ =	shalt  }
0x80: {  	_ =	shalt  }
0x81: {  	_ =	shalt  }
0x82: {  	_ =	shalt  }
0x83: {  	_ =	shalt  }
0x84: {  	_ =	shalt  }
0x85: {  	_ =	shalt  }
0x86: {  	_ =	shalt  }
0x87: {  	_ =	shalt  }
.Lfunc_end0:
.L_simem_size_0:
called_computation.1_lowered:
.L_overlay_start_0:
0x88: {  	s2 =	sld [smem:$0x3FD9]  }
0x89: {  	s3 =	sld [smem:$0x3FFE];
	_ =	sdelay $0x1  }
0x8a: {  	s1 =	srdreg.scid  }
0x8b: {  	s0 =	sand.u32 $0x1, s1  }
0x8c: {  	s17 =	sshll.u32 s0, $0xA;
	s2 =	sadd.s32 s3, s2  }
0x8d: {  	s2 =	sadd.s32 s2, s17  }
0x8e: {  	[smem:$0x3FC6] =	sst s2  }
0x8f: {  	_ = 	snop  }
0x90: {  	s2 =	sld [smem:$0x3FD0];
	(tm) =	ssettm $0x1  }
0x91: {  	s18 =	sld [smem:$0x3FFB];
	_ =	sdelay $0x3  }
0x92: {  	_ =	strace s18  }
0x93: {  	s3 =	sld [smem:$0x3FFC];
	_ =	sdelay $0x3  }
0x94: {  	_ =	strace s3  }
0x95: {  	s3 =	sld [smem:$0x3FFD];
	_ =	sdelay $0x3  }
0x96: {  	_ =	strace s3  }
0x97: {  	_ =	strace $0x8FFFFFFF  }
0x98: {  	s19 =	sld [smem:$0x3FDB];
	_ =	sdelay $0x1  }
0x99: {  	s4 =	simm.s32 $_scs_section_size  }
0x9a: {  	s5 =	simm.s32 $_size__tile_overlayer_lowered;
	s6 =	simm.s32 $_tile_overlayer_lowered  }
0x9b: {  	s22 =	simm.s32 $0x1BFF;
	s21 =	sshll.u32 s6, $0x1;
	s3 =	sadd.s32 s4, s19  }
0x9c: {  	s7 =	simm.s32 $0x0;
	s20 =	sshll.u32 s5, $0x1;
	s5 =	sadd.s32 s21, s3  }
0x9d: {  	[timem:s7], [sflag:s22] =	dma.local [hbm:s5], s20  }
0x9e: {  	_ =	swait.ge [sflag:s22], s20  }
0x9f: {  	s4 =	ssub.s32 $0x0, s20;
	[sflag:s22] =	ssyncset.done $0x0  }
0xa0: {  	[sflag:s22] =	ssyncadd.s32 s4;
	_ =	sdelay $0x1  }
0xa1: {  	s23 =	simm.s32 $0x1B8B  }
0xa2: {  	_ =	swait.ge [sflag:s23], $0x1  }
0xa3: {  	[sflag:s23] =	ssyncset.done $0x0  }
0xa4: {  	s25 =	simm.s32 $0x1B8E;
	s24 =	sld [smem:$0x3FFE];
	[sflag:s23] =	ssyncadd.s32 $0xFFFFFFFF  }
0xa5: {  	s26 =	simm.s32 $execute0_lowered;
	[smem:$0x3FD2] =	sst s25  }
0xa6: {  	s5 =	sshll.u32 s26, $0x1;
	_ =	strace $0x80000046;
	[dreg:$0x1] =	wrdreg $0xFFFFFFFF  }
0xa7: {  	s28 =	simm.s32 $_size_execute0_lowered;
	s3 =	sadd.s32 s3, s5;
	[dreg:$0x0] =	wrdreg $0x0  }
0xa8: {  	s5 =	sshll.u32 s28, $0x1;
	[dreg:$0x2] =	wrdreg s3  }
0xa9: {  	[dreg:$0x3] =	wrdreg s5  }
0xaa: {  	[dreg:$0x4] =	wrdreg $0xC0  }
0xab: {  	_ =	task [dreg:s7], $0x5FFFF  }
0xac: {  	[dreg:$0x1] =	wrdreg $0xFFFFFFFF  }
0xad: {  	[dreg:$0x0] =	wrdreg $0x60  }
0xae: {  	[dreg:$0x2] =	wrdreg s24  }
0xaf: {  	[dreg:$0x3] =	wrdreg s2  }
0xb0: {  	[dreg:$0x4] =	wrdreg $0x9  }
0xb1: {  	_ =	task.clear_ibuf [dreg:s7], $0x5FFFF;
	_ =	strace $0x90000046  }
0xb2: {  	s29 =	simm.s32 $0x9;
	_ =	strace $0x80000048  }
0xb3: {  	_ =	swait.ge [sflag:s29], $0x1  }
0xb4: {  	[sflag:s29] =	ssyncadd.s32 $0xFFFFFFFF  }
0xb5: {  	_ =	strace $0x90000048  }
0xb6: {  	_ =	sfence  }
0xb7: {  	s30 =	sld [smem:$0x0];
	_ =	sdelay $0x2  }
0xb8: {  	s31 =	sshll.u32 s1, $0xD;
	s1 =	sshrl.u32 s1, $0x2  }
0xb9: {  	s3 =	sand.u32 $0x4000, s31;
	s1 =	sadd.s32 s1, s30  }
0xba: {  	s0 =	sor.u32 s3, s0;
	s1 =	sshll.u32 s1, $0x11  }
0xbb: {  	s0 =	sor.u32 s1, s0  }
0xbc: {  	s0 =	sadd.s32 $0x8F2B, s0  }
0xbd: {  	[sflag:s0] =	ssyncadd.remote.s32 $0x1  }
0xbe: {  	_ =	sfence.sel $0xFFFF  }
0xbf: {  	[dreg:$0x0] =	wrdreg $0xFFFFFFFF;
	(pc) =	sbr.abs _section_cstart, $3  }
0xc0: {  	[dreg:$0x1] =	wrdreg $0xFFFFFFFF  }
0xc1: {  	_ =	task.clear_ibuf [dreg:s7], $0x2FFFF;
	_ =	strace $0x9FFFFFFF  }
0xc2: {  	(tm) =	ssettm $0x7FFFFFFF  }
0xc3: {  	_ =	shalt  }
tec
execute0_lowered:
.L_overlay_start_1:
0x0: {  	(tag) =	ssettag $0x1  }
0x1: {  	s6 =	rddreg [dreg:$0x0]  }
0x2: {  	s1 =	rddreg [dreg:$0x1]  }
0x3: {  	s0 =	rddreg [dreg:$0x2];
	s2 =	simm.s32 $0x0;
	s3 =	srdreg.scid  }
0x4: {  	s11 =	simm.s32 $0x80;
	s12 =	simm.s32 $0x3200;
	s13 =	simm.s32 $0x9680  }
0x5: {  	s14 =	simm.s32 $0x5200;
	s15 =	simm.s32 $0x9700;
	s16 =	simm.s32 $0x7200  }
0x6: {  	s17 =	simm.s32 $0x10;
	s18 =	simm.s32 $0x9780;
	s19 =	simm.s32 $0x9200  }
0x7: {  	s20 =	simm.s32 $0x1;
	s21 =	simm.s32 $0x0;
	[smem:$0x7FF] =	sst s2  }
0x8: {  	s7 =	sand.u32 $0x1, s3;
	s4 =	sadd.s32 $0xF43000, s6;
	s3 =	stileid.u32  }
0x9: {  	s5 =	sadd.s32 $0xC00, s6;
	s6 =	sadd.s32 $0x7000, s6;
	s8 =	ssub.s32 $0x2, s7  }
0xa: {  	_ =	strace $0x80000047;
	s10 =	sshll.u32 s3, $0x1;
	s9 =	sshrl.u32 s8, $0x1  }
0xb: {  	s7 =	sor.u32 s7, s10;
	s10 =	simm.s32 $0x9600;
	s8 =	ssub.s32 s8, s9  }
0xc: {  	s7 =	smul.u32 $0x1900, s7;
	s9 =	simm.s32 $0x2;
	s8 =	smax.u32 s8, $0x1  }
.LBB2_1:
0xd: {  	[tilespmem:s2], [sflag:$0x2] =	stream.linear.gather [hbm4b:s6+s2], $0x3200, $0x38;
	[tilespmem:$0x9790] =	vst v63  }
0xe: {  	_ =	swait.ge [sflag:s9], $0x3200  }
0xf: {  	[sflag:s9] =	ssyncset.done $0x0  }
0x10: {  	s22 =	simm.s32 $0x0;
	[sflag:s9] =	ssyncadd.s32 $0xFFFFCE00  }
.LBB2_2:
0x11: {  	s23 =	smul.u32 $0x190, s22;
	_ =	sdelay $0x1  }
0x12: {  	s23 =	sadd.s32 s7, s23  }
0x13: {  	s24 =	sshrl.u32 s23, $0x3  }
0x14: {  	s25 =	simm.s32 $0x0;
	s24 =	sadd.s32 s5, s24  }
0x15: {  	[tilespmem:s10], [sflag:$0x2] =	stream.linear.gather [hbm4b:s24+s25], $0x190, $0x38;
	[tilespmem:$0x9790] =	vst v63  }
0x16: {  	_ =	swait.ge [sflag:s9], $0x190  }
0x17: {  	[sflag:s9] =	ssyncset.done $0x0  }
0x18: {  	[sflag:s9] =	ssyncadd.s32 $0xFFFFFE70  }
0x19: {  	[tilespmem:s12], [sflag:$0x1] =	stream.indirect.gather [hbm4b:s4+s11], $0x40, s10, s11, $0xb8;
	[tilespmem:$0x9790] =	vst v63  }
0x1a: {  	_ = 	snop  }
0x1b: {  	[tilespmem:s14], [sflag:$0x1] =	stream.indirect.gather [hbm4b:s4+s11], $0x40, s13, s11, $0xb8;
	[tilespmem:$0x9790] =	vst v63  }
0x1c: {  	_ = 	snop  }
0x1d: {  	[tilespmem:s16], [sflag:$0x1] =	stream.indirect.gather [hbm4b:s4+s11], $0x40, s15, s11, $0xb8;
	[tilespmem:$0x9790] =	vst v63  }
0x1e: {  	_ = 	snop  }
0x1f: {  	[tilespmem:s19], [sflag:$0x1] =	stream.indirect.gather [hbm4b:s4+s17], $0x40, s18, s17, $0xb8;
	[tilespmem:$0x9790] =	vst v63  }
0x20: {  	_ =	swait.ge [sflag:s20], $0x2000  }
0x21: {  	[sflag:s20] =	ssyncset.done $0x0  }
0x22: {  	[sflag:s20] =	ssyncadd.s32 $0xFFFFE000  }
0x23: {  	_ =	swait.ge [sflag:s20], $0x2000  }
0x24: {  	[sflag:s20] =	ssyncset.done $0x0  }
0x25: {  	[sflag:s20] =	ssyncadd.s32 $0xFFFFE000  }
0x26: {  	_ =	swait.ge [sflag:s20], $0x2000  }
0x27: {  	[sflag:s20] =	ssyncset.done $0x0  }
0x28: {  	[sflag:s20] =	ssyncadd.s32 $0xFFFFE000  }
0x29: {  	_ =	swait.ge [sflag:s20], $0x400  }
0x2a: {  	[sflag:s20] =	ssyncset.done $0x0  }
0x2b: {  	s24 =	simm.s32 $0x0;
	[sflag:s20] =	ssyncadd.s32 $0xFFFFFC00  }
0x2c: {  	v1 =	vld [tilespmem:s24+$0x0]  }
0x2d: {  	v0 =	vld [tilespmem:s24+$0x10]  }
0x2e: {  	v2 =	vld [tilespmem:s24+$0x20]  }
0x2f: {  	v3 =	vld [tilespmem:s24+$0x3200]  }
0x30: {  	v8 =	vld [tilespmem:s24+$0x6400]  }
0x31: {  	v7 =	vld [tilespmem:s24+$0x3210]  }
0x32: {  	v6 =	vld [tilespmem:s24+$0x6410]  }
0x33: {  	v5 =	vld [tilespmem:s24+$0x3220]  }
0x34: {  	v4 =	vld [tilespmem:s24+$0x6420];
	v9 =	vmul.f32 $8.000000000e+00, v3  }
0x35: {  	s25 =	simm.s32 $0x100;
	v8 =	vmul.f32 $8.000000000e+00, v8;
	v3 =	vld [tilespmem:s24+$0x3230]  }
.LBB2_3:
0x36: {  	p0 =	sne.s32 s25, $0xC700;
	v9 =	vadd.f32 v9, v1;
	v7 =	vmul.f32 $8.000000000e+00, v7;
	v10 =	vld [tilespmem:s24+$0x6430]  }
0x37: {  	s26 =	sshra.s32 s25, $0x2;
	v8 =	vadd.f32 v8, v1;
	v6 =	vmul.f32 $8.000000000e+00, v6;
	v11 =	vld [tilespmem:s24+$0x30]  }
0x38: {  	v1 =	vld [tilespmem:s26+$0x0];
	[tilespmem:s24+$0x3200] =	vst v9;
	v7 =	vadd.f32 v7, v0;
	v5 =	vmul.f32 $8.000000000e+00, v5  }
0x39: {  	[tilespmem:s24+$0x6400] =	vst v8;
	v6 =	vadd.f32 v6, v0;
	v0 =	vld [tilespmem:s26+$0x10];
	v4 =	vmul.f32 $8.000000000e+00, v4  }
0x3a: {  	v8 =	vld [tilespmem:s26+$0x20];
	[tilespmem:s24+$0x3210] =	vst v7;
	v5 =	vadd.f32 v5, v2;
	v3 =	vmul.f32 $8.000000000e+00, v3  }
0x3b: {  	v9 =	vld [tilespmem:s26+$0x3200];
	[tilespmem:s24+$0x6410] =	vst v6;
	v2 =	vadd.f32 v4, v2;
	v4 =	vmul.f32 $8.000000000e+00, v10  }
0x3c: {  	v10 =	vld [tilespmem:s26+$0x6400];
	[tilespmem:s24+$0x3220] =	vst v5;
	v3 =	vadd.f32 v3, v11  }
.Ltmp0:
0x3d: {  	v7 =	vld [tilespmem:s26+$0x3210];
	[tilespmem:s24+$0x6420] =	vst v2;
	v4 =	vadd.f32 v4, v11;
	(pc) =	sbr.rel @p0 .LBB2_3-.Ltmp0, $4  }
0x3e: {  	v6 =	vld [tilespmem:s26+$0x6410];
	[tilespmem:s24+$0x3230] =	vst v3  }
0x3f: {  	v5 =	vld [tilespmem:s26+$0x3220];
	[tilespmem:s24+$0x6430] =	vst v4;
	v2 =	vmov v8;
	s24 =	smov.u32 s26  }
0x40: {  	v9 =	vmul.f32 $8.000000000e+00, v9;
	v4 =	vld [tilespmem:s24+$0x6420]  }
0x41: {  	s25 =	sadd.s32 $0x100, s25;
	v8 =	vmul.f32 $8.000000000e+00, v10;
	v3 =	vld [tilespmem:s24+$0x3230]  }
0x42: {  	v9 =	vadd.f32 v9, v1;
	v7 =	vmul.f32 $8.000000000e+00, v7;
	v10 =	vld [tilespmem:s24+$0x6430]  }
0x43: {  	v56 =	vld [tilespmem:s24+$0x30];
	v55 =	vadd.f32 v8, v1;
	v6 =	vmul.f32 $8.000000000e+00, v6  }
0x44: {  	[tilespmem:s24+$0x3200] =	vst v9;
	v7 =	vadd.f32 v7, v0;
	v5 =	vmul.f32 $8.000000000e+00, v5  }
0x45: {  	[tilespmem:s24+$0x6400] =	vst v55;
	v57 =	vadd.f32 v6, v0;
	v58 =	vmul.f32 $8.000000000e+00, v4  }
0x46: {  	[tilespmem:s24+$0x3210] =	vst v7;
	v59 =	vadd.f32 v5, v2;
	v3 =	vmul.f32 $8.000000000e+00, v3  }
0x47: {  	[tilespmem:s24+$0x6410] =	vst v57;
	v60 =	vadd.f32 v58, v2;
	v61 =	vmul.f32 $8.000000000e+00, v10  }
0x48: {  	[tilespmem:s24+$0x3220] =	vst v59;
	v62 =	vadd.f32 v3, v56  }
0x49: {  	s22 =	sadd.s32 $0x1, s22;
	[tilespmem:s24+$0x6420] =	vst v60;
	v63 =	vadd.f32 v61, v56  }
0x4a: {  	s23 =	sshll.u32 s23, $0x3;
	p0 =	sne.s32 s22, $0x10;
	[tilespmem:s24+$0x3230] =	vst v62  }
.Ltmp1:
0x4b: {  	s23 =	sadd.s32 s1, s23;
	[tilespmem:s24+$0x6430] =	vst v63;
	(pc) =	sbr.rel @p0 .LBB2_2-.Ltmp1, $4  }
0x4c: {  	[hbm4b:s23+s2] =	stream.linear.scatter [tilespmem:s12], [sflag:$0x2], $0x6400, $0x38;
	[tilespmem:$0x9790] =	vst v63  }
0x4d: {  	_ =	swait.ge [sflag:s9], $0x6400  }
0x4e: {  	[sflag:s9] =	ssyncset.done $0x0  }
0x4f: {  	[sflag:s9] =	ssyncadd.s32 $0xFFFF9C00  }
0x50: {  	s21 =	sadd.s32 $0x1, s21  }
0x51: {  	p0 =	sne.s32 s21, s8  }
.Ltmp2:
0x52: {  	_ = 	snop;
	(pc) =	sbr.rel @p0 .LBB2_1-.Ltmp2, $1  }
0x53: {  	_ =	sdelay $0x3  }
0x54: {  	_ =	sfence.sel $0x180000  }
0x55: {  	[bflag:$0x0] =	sbarrier.arrive $0xFFFF  }
0x56: {  	p0 =	sne.s32 s3, $0x0;
	_ =	strace $0x90000047  }
0x57: {  	s0 =	sadd.s32 @!p0 $0x100000, s0;
	[bflag:$0x2] =	sbarrier.arrive $0xFFFF  }
0x58: {  	[sflag:s0] =	ssyncadd.tile.s32 @!p0 $0x1;
	_ =	shalt  }
.Lfunc_end2:
_tile_overlayer_lowered:
.L_overlay_start_2:
0x59: {  	(tag) =	ssettag $0x2  }
0x5a: {  	s0 =	rddreg [dreg:$0x0];
	s2 =	stileid.u32  }
0x5b: {  	s1 =	rddreg [dreg:$0x1];
	p0 =	sne.s32 s2, $0x0  }
0x5c: {  	s3 =	rddreg [dreg:$0x2];
	[bflag:$0x3] =	sbarrier.arrive $0xFFFF;
	s2 =	simm.s32 @!p0 $0x1C02  }
0x5d: {  	[timem:s3], [sflag:s2] =	dma.local @!p0 [hbm:s0], s1  }
0x5e: {  	s0 =	simm.s32 @!p0 $0x2  }
0x5f: {  	_ =	swait.ge @!p0 [sflag:s0], s1  }
0x60: {  	s1 =	ssub.s32 @!p0 $0x0, s1;
	[sflag:s0] =	ssyncset.done @!p0 $0x0  }
0x61: {  	[sflag:s0] =	ssyncadd.s32 @!p0 s1  }
0x62: {  	[bflag:$0x3] =	sbarrier.arrive $0xFFFF  }
0x63: {  	_ =	shalt  }

// kernel: sparse-core-data-format-call.cloned.1.call-start
scs
called_computation_lowered:
.L_overlay_start_0:
0x0: {  	s2 =	sld [smem:$0x3FD9]  }
0x1: {  	s3 =	sld [smem:$0x3FFE];
	_ =	sdelay $0x1  }
0x2: {  	s1 =	srdreg.scid  }
0x3: {  	s0 =	sand.u32 $0x1, s1  }
0x4: {  	s18 =	sshll.u32 s0, $0xA;
	s2 =	sadd.s32 s3, s2  }
0x5: {  	s2 =	sadd.s32 s2, s18  }
0x6: {  	[smem:$0x3FC6] =	sst s2  }
0x7: {  	_ = 	snop  }
0x8: {  	s2 =	sld [smem:$0x3FD0];
	(tm) =	ssettm $0x1  }
0x9: {  	s19 =	sld [smem:$0x3FFB];
	_ =	sdelay $0x3  }
0xa: {  	_ =	strace s19  }
0xb: {  	s3 =	sld [smem:$0x3FFC];
	_ =	sdelay $0x3  }
0xc: {  	_ =	strace s3  }
0xd: {  	s3 =	sld [smem:$0x3FFD];
	_ =	sdelay $0x3  }
0xe: {  	_ =	strace s3  }
0xf: {  	_ =	strace $0x8FFFFFFF  }
0x10: {  	s20 =	sld [smem:$0x3FDB];
	_ =	sdelay $0x1  }
0x11: {  	s4 =	simm.s32 $_scs_section_size  }
0x12: {  	s5 =	simm.s32 $_size__tile_overlayer_lowered;
	s6 =	simm.s32 $_tile_overlayer_lowered  }
0x13: {  	s23 =	simm.s32 $0x1BFF;
	s22 =	sshll.u32 s6, $0x1;
	s3 =	sadd.s32 s4, s20  }
0x14: {  	s7 =	simm.s32 $0x0;
	s21 =	sshll.u32 s5, $0x1;
	s5 =	sadd.s32 s22, s3  }
0x15: {  	[timem:s7], [sflag:s23] =	dma.local [hbm:s5], s21  }
0x16: {  	_ =	swait.ge [sflag:s23], s21  }
0x17: {  	s4 =	ssub.s32 $0x0, s21;
	[sflag:s23] =	ssyncset.done $0x0  }
0x18: {  	[sflag:s23] =	ssyncadd.s32 s4;
	_ =	sdelay $0x1  }
0x19: {  	s24 =	simm.s32 $0x1B8B  }
0x1a: {  	_ =	swait.ge [sflag:s24], $0x1  }
0x1b: {  	[sflag:s24] =	ssyncset.done $0x0  }
0x1c: {  	s26 =	simm.s32 $0x1B8E;
	s25 =	sld [smem:$0x3FFE];
	[sflag:s24] =	ssyncadd.s32 $0xFFFFFFFF  }
0x1d: {  	s27 =	simm.s32 $execute0_lowered;
	[smem:$0x3FD2] =	sst s26  }
0x1e: {  	s5 =	sshll.u32 s27, $0x1;
	_ =	strace $0x80000049;
	[dreg:$0x1] =	wrdreg $0xFFFFFFFF  }
0x1f: {  	s28 =	simm.s32 $_size_execute0_lowered;
	s3 =	sadd.s32 s3, s5;
	[dreg:$0x0] =	wrdreg $0x0  }
0x20: {  	s5 =	sshll.u32 s28, $0x1;
	[dreg:$0x2] =	wrdreg s3  }
0x21: {  	[dreg:$0x3] =	wrdreg s5  }
0x22: {  	[dreg:$0x4] =	wrdreg $0xC0  }
0x23: {  	_ =	task [dreg:s7], $0x5FFFF  }
0x24: {  	[dreg:$0x1] =	wrdreg $0xFFFFFFFF  }
0x25: {  	[dreg:$0x0] =	wrdreg $0x60  }
0x26: {  	[dreg:$0x2] =	wrdreg s25  }
0x27: {  	[dreg:$0x3] =	wrdreg s2  }
0x28: {  	[dreg:$0x4] =	wrdreg $0x9  }
0x29: {  	_ =	task.clear_ibuf [dreg:s7], $0x5FFFF;
	_ =	strace $0x90000049  }
0x2a: {  	s29 =	simm.s32 $0x9;
	_ =	strace $0x8000004B  }
0x2b: {  	_ =	swait.ge [sflag:s29], $0x1  }
0x2c: {  	[sflag:s29] =	ssyncadd.s32 $0xFFFFFFFF  }
0x2d: {  	_ =	strace $0x9000004B  }
0x2e: {  	_ =	sfence  }
0x2f: {  	s30 =	sld [smem:$0x0];
	_ =	sdelay $0x2  }
0x30: {  	s31 =	sshll.u32 s1, $0xD;
	s1 =	sshrl.u32 s1, $0x2  }
0x31: {  	s3 =	sand.u32 $0x4000, s31;
	s1 =	sadd.s32 s1, s30  }
0x32: {  	s0 =	sor.u32 s3, s0;
	s1 =	sshll.u32 s1, $0x11  }
0x33: {  	s0 =	sor.u32 s1, s0  }
0x34: {  	s0 =	sadd.s32 $0x8F2B, s0  }
0x35: {  	[sflag:s0] =	ssyncadd.remote.s32 $0x1  }
0x36: {  	_ =	sfence.sel $0xFFFF  }
0x37: {  	[dreg:$0x0] =	wrdreg $0xFFFFFFFF;
	(pc) =	sbr.abs _section_cstart, $3  }
0x38: {  	[dreg:$0x1] =	wrdreg $0xFFFFFFFF  }
0x39: {  	_ =	task.clear_ibuf [dreg:s7], $0x2FFFF;
	_ =	strace $0x9FFFFFFF  }
0x3a: {  	(tm) =	ssettm $0x7FFFFFFF  }
0x3b: {  	_ =	shalt  }
tec
execute0_lowered:
.L_overlay_start_1:
0x0: {  	(tag) =	ssettag $0x1  }
0x1: {  	s0 =	stileid.u32;
	s6 =	rddreg [dreg:$0x0]  }
0x2: {  	s2 =	rddreg [dreg:$0x1];
	s5 =	srdreg.scid  }
0x3: {  	s31 =	simm.s32 $0x2;
	s13 =	simm.s32 $0x0;
	s1 =	sshll.u32 s0, $0x7  }
0x4: {  	s14 =	simm.s32 $0x0;
	s12 =	simm.s32 $0x0;
	s3 =	sand.u32 $0x380, s1  }
0x5: {  	s5 =	sshll.u32 s5, $0x4;
	s6 =	sadd.s32 $0xC00, s6;
	s4 =	ssub.s32 $0x400, s3  }
0x6: {  	s1 =	rddreg [dreg:$0x2];
	_ =	strace $0x8000004A;
	s7 =	sand.u32 $0x380, s4  }
0x7: {  	s5 =	sand.u32 $0x10, s5;
	p0 =	sne.s32 s7, $0x0;
	s7 =	simm.s32 $0x1  }
.Ltmp0:
0x8: {  	s8 =	sshrl.u32 s4, $0xA;
	s7 =	simm.s32 @!p0 $0x0;
	(pc) =	sbr.rel .LBB1_1-.Ltmp0, $4  }
0x9: {  	s9 =	sor.u32 s0, s5;
	s4 =	simm.s32 $0x1;
	s30 =	sadd.s32 s7, s8  }
0xa: {  	s11 =	smov.u32 s3;
	[sflag:s4] =	ssyncpa.u1 $0x0;
	s5 =	smul.u32 $0x32, s30  }
0xb: {  	[sflag:s31] =	ssyncpa.u1 $0x0;
	p0 =	por $0x0, $0x0;
	s7 =	sshrl.u32 s9, $0x3  }
0xc: {  	s9 =	simm.s32 $0x2000;
	s10 =	smov.u32 s7;
	s8 =	sor.u32 $0x1, s5  }
.LBB1_4:
0xd: {  	s17 =	sand.u32 $0x1F80, s14;
	s13 =	sshll.u32 s13, $0xD  }
0xe: {  	[tilespmem:s16+$0x810 ss:$0x81] =	vst.msk $0xffff, v2;
	s18 =	sshrl.u32 s14, $0x3;
	s31 =	sand.u32 $0x7, s14;
	s17 =	sadd.s32 s2, s17  }
0xf: {  	[tilespmem:s16+$0x1020 ss:$0x81] =	vst.msk $0xffff, v0;
	s18 =	sand.u32 $0xF, s18;
	s14 =	sshll.u32 s31, $0x12;
	s13 =	sadd.s32 s13, s17  }
0x10: {  	[tilespmem:s16+$0x0 ss:$0x81] =	vst.msk $0xffff, v1;
	s14 =	sor.u32 $0x400, s14;
	s13 =	sadd.s32 s18, s13  }
0x11: {  	[hbm4b:s13+s14] =	stream.strided.scatter [tilespmem:s15], [sflag:$0x2], $0x2000, s9, s14, $0x20;
	[tilespmem:$0x8080] =	vst v63  }
.LBB1_5:
0x12: {  	s15 =	sadd.s32 $0x4, s10  }
0x13: {  	s13 =	sadd.s32 $0x400, s11;
	s17 =	smov.u32 s11;
	p2 =	sgt.s32 s15, $0xC7  }
0x14: {  	s17 =	smov.u32 @p2 s13  }
0x15: {  	s15 =	smov.u32 @p2 s7;
	p2 =	sgt.s32 s17, $0x3FF  }
0x16: {  	s17 =	smov.u32 @p2 s3;
	p2 =	sne.s32 s12, s8  }
.Ltmp1:
0x17: {  	p1 =	slt.u32 s12, $0x2;
	(pc) =	sbr.rel @!p2 .LBB1_6-.Ltmp1, $4  }
0x18: {  	s16 =	simm.s32 @!p1 $0x2  }
0x19: {  	s14 =	smov.u32 s11;
	p0 =	por !p0, !p0;
	_ =	swait.ge @!p1 [sflag:s16], $0x2000  }
0x1a: {  	s13 =	smov.u32 s10;
	[sflag:s16] =	ssyncset.done @!p1 $0x0;
	s10 =	smov.u32 s15  }
0x1b: {  	s12 =	sadd.s32 $0x1, s12;
	[sflag:s16] =	ssyncadd.s32 @!p1 $0xFFFFE000;
	s11 =	smov.u32 s17  }
.LBB1_1:
0x1c: {  	p1 =	sge.u32 s12, s5  }
0x1d: {  	s15 =	sand.u32 @!p1 $0x1FFFFFF, s10  }
0x1e: {  	s16 =	smulhi.u32 @!p1 $0x147AE15, s15;
	_ =	sdelay $0x1  }
0x1f: {  	s16 =	smul.u32 @!p1 $0xC8, s16  }
0x20: {  	s17 =	sxor.u32 @!p1 $0xFFFFFFFF, s12;
	s18 =	smul.u32 @!p1 $0xC80, s11  }
0x21: {  	s31 =	sadd.s32 $0xFFFFFFFF, s12;
	s17 =	sshll.u32 @!p1 s17, $0xD;
	s15 =	ssub.s32 @!p1 s15, s16  }
0x22: {  	s16 =	sand.u32 @!p1 $0x2000, s17;
	s17 =	sadd.s32 @!p1 s6, s18;
	s15 =	sshll.u32 @!p1 s15, $0x4  }
0x23: {  	s18 =	simm.s32 @!p1 $0x6400;
	s15 =	sadd.s32 @!p1 s15, s17;
	s17 =	simm.s32 @!p1 $0x40  }
0x24: {  	[tilespmem:s16], [sflag:$0x1] =	stream.strided.gather @!p1 [hbm4b:s15+s17], $0x2000, s18, s17, $0x38;
	[tilespmem:$0x8080] =	vst v63  }
0x25: {  	p1 =	sge.u32 s31, s5  }
.Ltmp2:
0x26: {  	_ = 	snop;
	(pc) =	sbr.rel @p1 .LBB1_5-.Ltmp2, $1  }
0x27: {  	_ =	sdelay $0x3  }
0x28: {  	s15 =	simm.s32 $0x1  }
0x29: {  	_ =	swait.ge [sflag:s4], $0x2000;
	s15 =	simm.s32 @!p0 $0x0  }
0x2a: {  	[sflag:s4] =	ssyncset.done $0x0;
	s16 =	sshll.u32 s15, $0xD  }
0x2b: {  	[sflag:s4] =	ssyncadd.s32 $0xFFFFE000;
	s19 =	sor.u32 $0x20, s16  }
0x2c: {  	s15 =	smul.u32 $0x8100, s15;
	v3 =	vld [tilespmem:s19+$0x10]  }
0x2d: {  	s30 =	sand.u32 $0x1, s12;
	v2 =	vld [tilespmem:s19+$0xFFFFFFF0]  }
0x2e: {  	s16 =	smul.u32 $0x8100, s30;
	s15 =	sshrl.u32 s15, $0x2;
	v0 =	vld [tilespmem:s19+$0x0]  }
0x2f: {  	v1 =	vld [tilespmem:s19+$0xFFFFFFE0];
	s17 =	sor.u32 $0x4000, s15  }
0x30: {  	s31 =	sshrl.u32 s16, $0x2;
	s16 =	sadd.s32 $0x0, s17  }
0x31: {  	s18 =	simm.s32 $0x4;
	s19 =	sadd.s32 $0x40, s19;
	s15 =	sor.u32 $0x4000, s31;
	[tilespmem:s16+$0x1830 ss:$0x81] =	vst.msk $0xffff, v3  }
.LBB1_3:
0x32: {  	v3 =	vld [tilespmem:s19+$0x10];
	p1 =	sne.s32 s18, $0x1FC;
	[tilespmem:s16+$0x810 ss:$0x81] =	vst.msk $0xffff, v2;
	s20 =	smov.u32 s18;
	s18 =	sadd.s32 $0x4, s18  }
.Ltmp3:
0x33: {  	v2 =	vld [tilespmem:s19+$0xFFFFFFF0];
	[tilespmem:s16+$0x1020 ss:$0x81] =	vst.msk $0xffff, v0;
	(pc) =	sbr.rel @p1 .LBB1_3-.Ltmp3, $4  }
0x34: {  	v0 =	vld [tilespmem:s19+$0x0];
	[tilespmem:s16+$0x0 ss:$0x81] =	vst.msk $0xffff, v1  }
0x35: {  	s16 =	sshra.s32 s20, $0x2;
	v1 =	vld [tilespmem:s19+$0xFFFFFFE0]  }
0x36: {  	s16 =	sadd.s32 s16, s17  }
0x37: {  	s19 =	sadd.s32 $0x40, s19;
	[tilespmem:s16+$0x1830 ss:$0x81] =	vst.msk $0xffff, v3  }
.Ltmp4:
0x38: {  	_ = 	snop;
	(pc) =	sbr.rel .LBB1_4-.Ltmp4, $1  }
0x39: {  	_ =	sdelay $0x3  }
.LBB1_6:
0x3a: {  	_ =	sfence.sel $0x180000  }
0x3b: {  	s2 =	simm.s32 $0x1;
	[bflag:$0x0] =	sbarrier.arrive $0xFFFF  }
0x3c: {  	s31 =	simm.s32 $0x2;
	[sflag:s2] =	ssyncpa.u1 $0x1  }
0x3d: {  	[sflag:s31] =	ssyncpa.u1 $0x1  }
0x3e: {  	p0 =	sne.s32 s0, $0x0;
	_ =	strace $0x9000004A  }
0x3f: {  	s0 =	sadd.s32 @!p0 $0x100000, s1;
	[bflag:$0x2] =	sbarrier.arrive $0xFFFF  }
0x40: {  	[sflag:s0] =	ssyncadd.tile.s32 @!p0 $0x1;
	_ =	shalt  }
.Lfunc_end1:
_tile_overlayer_lowered:
.L_overlay_start_2:
0x41: {  	(tag) =	ssettag $0x2  }
0x42: {  	s0 =	rddreg [dreg:$0x0];
	s2 =	stileid.u32  }
0x43: {  	s1 =	rddreg [dreg:$0x1];
	p0 =	sne.s32 s2, $0x0  }
0x44: {  	s3 =	rddreg [dreg:$0x2];
	[bflag:$0x3] =	sbarrier.arrive $0xFFFF;
	s2 =	simm.s32 @!p0 $0x1C01  }
0x45: {  	[timem:s3], [sflag:s2] =	dma.local @!p0 [hbm:s0], s1  }
0x46: {  	s0 =	simm.s32 @!p0 $0x1  }
0x47: {  	_ =	swait.ge @!p0 [sflag:s0], s1  }
0x48: {  	s1 =	ssub.s32 @!p0 $0x0, s1;
	[sflag:s0] =	ssyncset.done @!p0 $0x0  }
0x49: {  	[sflag:s0] =	ssyncadd.s32 @!p0 s1  }
0x4a: {  	[bflag:$0x3] =	sbarrier.arrive $0xFFFF  }
0x4b: {  	_ =	shalt  }

</sc_bundles>
